<compile_context>
chip_gen: v7x
topology: tpu7x:2x2x1
jax: 0.10.2.dev20260603
libtpu: 0.0.44.dev20260713+nightly
codegen_flags: <defaults>
</compile_context>

<pallas_src>
import functools
import jax
import jax.numpy as jnp
from jax import lax
from jax.experimental import pallas as pl
from jax.experimental.pallas import tpu as pltpu
from jax.experimental.pallas import tpu_sc as plsc

_C = 5
_FILL = -999.0
_NC = 1
_NS = 16
_L = 16


def _make_sc_vals(B, Lx, Lc, Lt, D):
    n_workers = _NC * _NS
    assert n_workers % B == 0
    per_batch = n_workers // B
    chunk = Lc // per_batch
    assert chunk % _L == 0

    mesh = plsc.VectorSubcoreMesh(core_axis_name="c", subcore_axis_name="s",
                                  num_cores=_NC, num_subcores=_NS)

    @functools.partial(
        pl.kernel,
        out_type=jax.ShapeDtypeStruct((B, Lc), jnp.float32),
        mesh=mesh,
        scratch_types=[
            pltpu.VMEM((B,), jnp.int32),
            pltpu.VMEM((B,), jnp.int32),
            pltpu.VMEM((_L,), jnp.float32),
            pltpu.VMEM((_L,), jnp.float32),
            pltpu.VMEM((Lt,), jnp.float32),
            pltpu.VMEM((chunk,), jnp.float32),
            pltpu.SemaphoreType.DMA,
            pltpu.SemaphoreType.DMA,
        ],
    )
    def sc_vals(time2d_hbm, x_hbm, lenx_hbm, lenc_hbm, vals_hbm,
                lenx_v, lenc_v, x0_v, xl_v, row_v, out_v, sem, sem2):
        wid = lax.axis_index("s") * _NC + lax.axis_index("c")
        i = wid // per_batch
        j0 = (wid % per_batch) * chunk

        c_lx = pltpu.async_copy(lenx_hbm, lenx_v, sem)
        c_lc = pltpu.async_copy(lenc_hbm, lenc_v, sem)
        c_row = pltpu.async_copy(time2d_hbm.at[i], row_v, sem2)
        c_x0 = pltpu.async_copy(x_hbm.at[i, 0, pl.ds(0, _L)], x0_v, sem2)
        c_lx.wait()
        c_lc.wait()
        lane = lax.iota(jnp.int32, _L)
        lx = lenx_v[pl.ds(i, 1)][0]
        lc = lenc_v[pl.ds(i, 1)][0]
        c_xl = pltpu.async_copy(x_hbm.at[i, lx - 1, pl.ds(0, _L)], xl_v, sem)
        c_xl.wait()
        c_x0.wait()
        c_row.wait()
        x0 = x0_v[pl.ds(_C, 1)][0]
        xl = xl_v[pl.ds(_C, 1)][0]
        t0 = row_v[pl.ds(0, 1)][0]
        tl = row_v[pl.ds(lx - 1, 1)][0]
        x0v = jnp.full((_L,), x0, jnp.float32)
        t0v = jnp.full((_L,), t0, jnp.float32)
        slope = (jnp.full((_L,), xl, jnp.float32) - x0v) / (
            jnp.full((_L,), tl, jnp.float32) - t0v)

        def step(it, carry):
            base = it * (2 * _L)
            for u in range(2):
                off = base + u * _L
                t = row_v[pl.ds(lx + j0 + off, _L)]
                val = slope * (t - t0v) + x0v
                jv = j0 + off + lane
                val = jnp.where(jv < lc, val, _FILL)
                out_v[pl.ds(off, _L)] = val
            return carry

        lax.fori_loop(0, chunk // (2 * _L), step, 0)
        pltpu.sync_copy(out_v, vals_hbm.at[i, pl.ds(j0, chunk)])

    return sc_vals


def _tc_fill_body(vals_ref, out_ref):
    nb, Lc, D = out_ref.shape
    lane = lax.broadcasted_iota(jnp.int32, (Lc, D), 1)
    for b in range(nb):
        v = vals_ref[b].reshape(Lc, 1)
        out_ref[b] = jnp.where(lane == _C, v, _FILL)


def kernel(x, time, context, len_x, len_context, len_time):
    B, Lx, D = x.shape
    Lc = context.shape[1]
    Lt = time.shape[1]

    sc_vals = _make_sc_vals(B, Lx, Lc, Lt, D)
    vals = sc_vals(time, x,
                   len_x.astype(jnp.int32), len_context.astype(jnp.int32))

    nb, nj = 8, 2
    out = pl.pallas_call(
        _tc_fill_body,
        grid=(B // nb, nj),
        in_specs=[pl.BlockSpec((nb, Lc // nj), lambda i, j: (i, j))],
        out_specs=pl.BlockSpec((nb, Lc // nj, D), lambda i, j: (i, j, 0)),
        out_shape=jax.ShapeDtypeStruct((B, Lc, D), x.dtype),
    )(vals)
    return out

# --- scband reference (transcript-rebuilt; emitter-appended) ---
"""Pipeline reference for scband-baseline-67491116089930 (READ-ONLY COPY).

The authoritative reference and input builder live on the scoring server;
editing this copy changes nothing except your own understanding.
"""

import jax, jax.numpy as jnp
import numpy as np

TARGET_COL = 5
USE_STD = False


def setup_inputs(seed: int = 0) -> dict:
    key = jax.random.key(seed)
    B, Lx, Lc, D = 16, 2048, 2048, 128
    Lt = Lx + Lc
    ks = jax.random.split(key, 6)
    x = jax.random.normal(ks[0], (B, Lx, D), dtype=jnp.float32)
    context = jax.random.normal(ks[1], (B, Lc, D), dtype=jnp.float32)
    # strictly increasing time stamps so slope denominators are nonzero
    dt = jax.random.uniform(ks[2], (B, Lt), minval=0.01, maxval=1.0, dtype=jnp.float32)
    time = jnp.cumsum(dt, axis=1)
    len_x = jax.random.randint(ks[3], (B,), Lx // 2, Lx + 1).astype(jnp.int32)
    len_x = len_x.at[0].set(Lx)  # pad_packed_sequence: max length present
    len_context = jax.random.randint(ks[4], (B,), Lc // 2, Lc + 1).astype(jnp.int32)
    len_context = len_context.at[0].set(Lc)
    len_time = (len_x + len_context).astype(jnp.int32)
    return {"x": x, "time": time, "context": context, "len_x": len_x, "len_context": len_context, "len_time": len_time}


def reference(x, time, context, len_x, len_context, len_time):
    B, Lx, D = x.shape
    Lc = context.shape[1]
    Lt = time.shape[1]
    c = TARGET_COL
    # time[i, :len_time[i]] -= time[i, 0]
    pos_t = jnp.arange(Lt)[None, :]
    mask_t = pos_t < len_time[:, None]
    time_adj = jnp.where(mask_t, time - time[:, 0:1], time)
    # slopes[i] = (x[i, len_x[i]-1, c] - x[i, 0, c]) / time_adj[i, len_x[i]-1]
    last_idx = (len_x - 1).astype(jnp.int32)
    x_last = jnp.take_along_axis(x[:, :, c], last_idx[:, None], axis=1)[:, 0]
    x0 = x[:, 0, c]
    t_last = jnp.take_along_axis(time_adj, last_idx[:, None], axis=1)[:, 0]
    slopes = (x_last - x0) / t_last
    beta = x0
    # res[i, :len_context[i], c] = slopes[i] * time_adj[i, len_x[i]:len_time[i]] + beta[i]
    j = jnp.arange(Lc)[None, :]
    gather_idx = jnp.clip(len_x[:, None] + j, 0, Lt - 1)
    t_future = jnp.take_along_axis(time_adj, gather_idx, axis=1)
    vals = slopes[:, None] * t_future + beta[:, None]
    mask_c = j < len_context[:, None]
    res = jnp.full((B, Lc, D), -999.0, dtype=x.dtype)
    res = res.at[:, :, c].set(jnp.where(mask_c, vals, -999.0))
    if USE_STD:
        res = res.at[:, :, 2 * c + 1].set(jnp.where(mask_c, 0.0, -999.0))
    return res

if __name__ == "__main__":
    import jax
    _d = setup_inputs()
    print(jax.jit(kernel)(*tuple(_d.values())))

</pallas_src>

<mosaic_0001>
#map = affine_map<(d0, d1) -> (0, 0)>
#map1 = affine_map<(d0, d1) -> (0, 0, 0)>
#map2 = affine_map<(d0, d1) -> (0)>
module attributes {stable_mosaic.version = 14 : i64} {
  func.func @sc_vals(%arg0: i32, %arg1: i32, %arg2: memref<16x4096xf32, #tpu.memory_space<hbm>>, %arg3: memref<16x2048x128xf32, #tpu.memory_space<hbm>>, %arg4: memref<16xi32, #tpu.memory_space<hbm>>, %arg5: memref<16xi32, #tpu.memory_space<hbm>>, %arg6: memref<16x2048xf32, #tpu.memory_space<hbm>>, %arg7: memref<16xi32, #tpu.memory_space<vmem>>, %arg8: memref<16xi32, #tpu.memory_space<vmem>>, %arg9: memref<16xf32, #tpu.memory_space<vmem>>, %arg10: memref<16xf32, #tpu.memory_space<vmem>>, %arg11: memref<4096xf32, #tpu.memory_space<vmem>>, %arg12: memref<2048xf32, #tpu.memory_space<vmem>>, %arg13: memref<!tpu.dma_semaphore, #tpu.memory_space<semaphore_mem>>, %arg14: memref<!tpu.dma_semaphore, #tpu.memory_space<semaphore_mem>>) attributes {dimension_semantics = [#tpu.dimension_semantics<core_parallel>, #tpu.dimension_semantics<subcore_parallel>], iteration_bounds = array<i64: 1, 16>, scalar_prefetch = 0 : i64, scratch_operands = 8 : i64, tpu.core_type = #tpu.core_type<sc_vector_subcore>, window_params = [{transform_indices = #map}, {transform_indices = #map1}, {transform_indices = #map2}, {transform_indices = #map2}, {transform_indices = #map}]} {
    %mul3A = arith.constant 1 : i32
    %mul3A_0 = arith.muli %arg1, %mul3A : i32
    %add3A = arith.addi %mul3A_0, %arg0 : i32
    %jit3A = arith.constant 1 : i32
    %div3A = arith.divsi %add3A, %jit3A : i32
    %sign3A = arith.constant 0 : i32
    %sign3A_1 = arith.cmpi sgt, %add3A, %sign3A : i32
    %sign3A_2 = arith.extui %sign3A_1 : i1 to i32
    %sign3A_3 = arith.constant 0 : i32
    %sign3A_4 = arith.cmpi slt, %add3A, %sign3A_3 : i32
    %sign3A_5 = arith.extui %sign3A_4 : i1 to i32
    %sign3A_6 = arith.subi %sign3A_2, %sign3A_5 : i32
    %sign3A_7 = arith.constant 0 : i32
    %sign3A_8 = arith.cmpi sgt, %jit3A, %sign3A_7 : i32
    %sign3A_9 = arith.extui %sign3A_8 : i1 to i32
    %sign3A_10 = arith.constant 0 : i32
    %sign3A_11 = arith.cmpi slt, %jit3A, %sign3A_10 : i32
    %sign3A_12 = arith.extui %sign3A_11 : i1 to i32
    %sign3A_13 = arith.subi %sign3A_9, %sign3A_12 : i32
    %ne3A = arith.cmpi ne, %sign3A_6, %sign3A_13 : i32
    %rem3A = arith.remsi %add3A, %jit3A : i32
    %ne3A_14 = arith.constant 0 : i32
    %ne3A_15 = arith.cmpi ne, %rem3A, %ne3A_14 : i32
    %and3A = arith.andi %ne3A, %ne3A_15 : i1
    %sub3A = arith.constant 1 : i32
    %sub3A_16 = arith.subi %div3A, %sub3A : i32
    %select_n3A = arith.select %and3A, %sub3A_16, %div3A : i32
    %jit3A_17 = arith.constant 1 : i32
    %eq3A = arith.constant 0 : i32
    %eq3A_18 = arith.cmpi eq, %jit3A_17, %eq3A : i32
    %jit3A_19 = arith.constant 1 : i32
    %select_n3A_20 = arith.select %eq3A_18, %jit3A_19, %jit3A_17 : i32
    %rem3A_21 = arith.remsi %add3A, %select_n3A_20 : i32
    %ne3A_22 = arith.constant 0 : i32
    %ne3A_23 = arith.cmpi ne, %rem3A_21, %ne3A_22 : i32
    %lt3A = arith.constant 0 : i32
    %lt3A_24 = arith.cmpi slt, %rem3A_21, %lt3A : i32
    %lt3A_25 = arith.constant 0 : i32
    %lt3A_26 = arith.cmpi slt, %select_n3A_20, %lt3A_25 : i32
    %ne3A_27 = arith.xori %lt3A_24, %lt3A_26 : i1
    %and3A_28 = arith.andi %ne3A_27, %ne3A_23 : i1
    %add3A_29 = arith.addi %rem3A_21, %select_n3A_20 : i32
    %select_n3A_30 = arith.select %and3A_28, %add3A_29, %rem3A_21 : i32
    %mul3A_31 = arith.constant 2048 : i32
    %mul3A_32 = arith.muli %select_n3A_30, %mul3A_31 : i32
    tpu.enqueue_dma source(%arg4 : memref<16xi32, #tpu.memory_space<hbm>>) target(%arg7 : memref<16xi32, #tpu.memory_space<vmem>>) target_semaphore(%arg13 : memref<!tpu.dma_semaphore, #tpu.memory_space<semaphore_mem>>)
    tpu.enqueue_dma source(%arg5 : memref<16xi32, #tpu.memory_space<hbm>>) target(%arg8 : memref<16xi32, #tpu.memory_space<vmem>>) target_semaphore(%arg13 : memref<!tpu.dma_semaphore, #tpu.memory_space<semaphore_mem>>)
    %dma_start3A = arith.constant 0 : i32
    %dma_start3A_33 = tpu.memref_slice %arg2[%select_n3A, %dma_start3A] : memref<16x4096xf32, #tpu.memory_space<hbm>> -> memref<1x4096xf32, #tpu.memory_space<hbm>>
    %dma_start3A_34 = tpu.memref_squeeze %dma_start3A_33 : memref<1x4096xf32, #tpu.memory_space<hbm>> -> memref<4096xf32, #tpu.memory_space<hbm>>
    %dma_start3A_35 = arith.constant 0 : i32
    %dma_start3A_36 = tpu.memref_slice %arg2[%select_n3A, %dma_start3A_35] : memref<16x4096xf32, #tpu.memory_space<hbm>> -> memref<1x4096xf32, #tpu.memory_space<hbm>>
    %dma_start3A_37 = tpu.memref_squeeze %dma_start3A_36 : memref<1x4096xf32, #tpu.memory_space<hbm>> -> memref<4096xf32, #tpu.memory_space<hbm>>
    tpu.enqueue_dma source(%dma_start3A_37 : memref<4096xf32, #tpu.memory_space<hbm>>) target(%arg11 : memref<4096xf32, #tpu.memory_space<vmem>>) target_semaphore(%arg14 : memref<!tpu.dma_semaphore, #tpu.memory_space<semaphore_mem>>)
    %dma_start3A_38 = arith.constant 0 : i32
    %dma_start3A_39 = arith.constant 0 : i32
    %dma_start3A_40 = tpu.memref_slice %arg3[%select_n3A, %dma_start3A_38, %dma_start3A_39] : memref<16x2048x128xf32, #tpu.memory_space<hbm>> -> memref<1x1x16xf32, #tpu.memory_space<hbm>>
    %dma_start3A_41 = tpu.memref_squeeze %dma_start3A_40 : memref<1x1x16xf32, #tpu.memory_space<hbm>> -> memref<16xf32, #tpu.memory_space<hbm>>
    %dma_start3A_42 = arith.constant 0 : i32
    %dma_start3A_43 = tpu.memref_slice %arg3[%select_n3A, %dma_start3A_38, %dma_start3A_42] : memref<16x2048x128xf32, #tpu.memory_space<hbm>> -> memref<1x1x16xf32, #tpu.memory_space<hbm>>
    %dma_start3A_44 = tpu.memref_squeeze %dma_start3A_43 : memref<1x1x16xf32, #tpu.memory_space<hbm>> -> memref<16xf32, #tpu.memory_space<hbm>>
    tpu.enqueue_dma source(%dma_start3A_44 : memref<16xf32, #tpu.memory_space<hbm>>) target(%arg9 : memref<16xf32, #tpu.memory_space<vmem>>) target_semaphore(%arg14 : memref<!tpu.dma_semaphore, #tpu.memory_space<semaphore_mem>>)
    tpu.wait_dma2 semaphore(%arg13 : memref<!tpu.dma_semaphore, #tpu.memory_space<semaphore_mem>>) src(%arg4 : memref<16xi32, #tpu.memory_space<hbm>>) dst(%arg7 : memref<16xi32, #tpu.memory_space<vmem>>)
    tpu.wait_dma2 semaphore(%arg13 : memref<!tpu.dma_semaphore, #tpu.memory_space<semaphore_mem>>) src(%arg5 : memref<16xi32, #tpu.memory_space<hbm>>) dst(%arg8 : memref<16xi32, #tpu.memory_space<vmem>>)
    %iota3A = tpu.iota {dimensions = array<i32: 0>} : vector<16xi32>
    %get3A = arith.index_cast %select_n3A : i32 to index
    %get3A_45 = tpu.vector_load %arg7[%get3A] {strides = array<i32>} : memref<16xi32, #tpu.memory_space<vmem>>, vector<1xi32>,
    %get3A_46 = vector.shape_cast %get3A_45 : vector<1xi32> to vector<1xi32>
    %squeeze3A = vector.extract %get3A_46[0] : i32 from vector<1xi32>
    %get3A_47 = arith.index_cast %select_n3A : i32 to index
    %get3A_48 = tpu.vector_load %arg8[%get3A_47] {strides = array<i32>} : memref<16xi32, #tpu.memory_space<vmem>>, vector<1xi32>,
    %get3A_49 = vector.shape_cast %get3A_48 : vector<1xi32> to vector<1xi32>
    %squeeze3A_50 = vector.extract %get3A_49[0] : i32 from vector<1xi32>
    %sub3A_51 = arith.constant 1 : i32
    %sub3A_52 = arith.subi %squeeze3A, %sub3A_51 : i32
    %dma_start3A_53 = arith.constant 0 : i32
    %dma_start3A_54 = tpu.memref_slice %arg3[%select_n3A, %sub3A_52, %dma_start3A_53] : memref<16x2048x128xf32, #tpu.memory_space<hbm>> -> memref<1x1x16xf32, #tpu.memory_space<hbm>>
    %dma_start3A_55 = tpu.memref_squeeze %dma_start3A_54 : memref<1x1x16xf32, #tpu.memory_space<hbm>> -> memref<16xf32, #tpu.memory_space<hbm>>
    %dma_start3A_56 = arith.constant 0 : i32
    %dma_start3A_57 = tpu.memref_slice %arg3[%select_n3A, %sub3A_52, %dma_start3A_56] : memref<16x2048x128xf32, #tpu.memory_space<hbm>> -> memref<1x1x16xf32, #tpu.memory_space<hbm>>
    %dma_start3A_58 = tpu.memref_squeeze %dma_start3A_57 : memref<1x1x16xf32, #tpu.memory_space<hbm>> -> memref<16xf32, #tpu.memory_space<hbm>>
    tpu.enqueue_dma source(%dma_start3A_58 : memref<16xf32, #tpu.memory_space<hbm>>) target(%arg10 : memref<16xf32, #tpu.memory_space<vmem>>) target_semaphore(%arg13 : memref<!tpu.dma_semaphore, #tpu.memory_space<semaphore_mem>>)
    %dma_wait3A = arith.constant 0 : i32
    %dma_wait3A_59 = tpu.memref_slice %arg3[%select_n3A, %sub3A_52, %dma_wait3A] : memref<16x2048x128xf32, #tpu.memory_space<hbm>> -> memref<1x1x16xf32, #tpu.memory_space<hbm>>
    %dma_wait3A_60 = tpu.memref_squeeze %dma_wait3A_59 : memref<1x1x16xf32, #tpu.memory_space<hbm>> -> memref<16xf32, #tpu.memory_space<hbm>>
    %dma_wait3A_61 = arith.constant 0 : i32
    %dma_wait3A_62 = tpu.memref_slice %arg3[%select_n3A, %sub3A_52, %dma_wait3A_61] : memref<16x2048x128xf32, #tpu.memory_space<hbm>> -> memref<1x1x16xf32, #tpu.memory_space<hbm>>
    %dma_wait3A_63 = tpu.memref_squeeze %dma_wait3A_62 : memref<1x1x16xf32, #tpu.memory_space<hbm>> -> memref<16xf32, #tpu.memory_space<hbm>>
    tpu.wait_dma2 semaphore(%arg13 : memref<!tpu.dma_semaphore, #tpu.memory_space<semaphore_mem>>) src(%dma_wait3A_63 : memref<16xf32, #tpu.memory_space<hbm>>) dst(%arg10 : memref<16xf32, #tpu.memory_space<vmem>>)
    %dma_wait3A_64 = arith.constant 0 : i32
    %dma_wait3A_65 = arith.constant 0 : i32
    %dma_wait3A_66 = tpu.memref_slice %arg3[%select_n3A, %dma_wait3A_64, %dma_wait3A_65] : memref<16x2048x128xf32, #tpu.memory_space<hbm>> -> memref<1x1x16xf32, #tpu.memory_space<hbm>>
    %dma_wait3A_67 = tpu.memref_squeeze %dma_wait3A_66 : memref<1x1x16xf32, #tpu.memory_space<hbm>> -> memref<16xf32, #tpu.memory_space<hbm>>
    %dma_wait3A_68 = arith.constant 0 : i32
    %dma_wait3A_69 = tpu.memref_slice %arg3[%select_n3A, %dma_wait3A_64, %dma_wait3A_68] : memref<16x2048x128xf32, #tpu.memory_space<hbm>> -> memref<1x1x16xf32, #tpu.memory_space<hbm>>
    %dma_wait3A_70 = tpu.memref_squeeze %dma_wait3A_69 : memref<1x1x16xf32, #tpu.memory_space<hbm>> -> memref<16xf32, #tpu.memory_space<hbm>>
    tpu.wait_dma2 semaphore(%arg14 : memref<!tpu.dma_semaphore, #tpu.memory_space<semaphore_mem>>) src(%dma_wait3A_70 : memref<16xf32, #tpu.memory_space<hbm>>) dst(%arg9 : memref<16xf32, #tpu.memory_space<vmem>>)
    %dma_wait3A_71 = arith.constant 0 : i32
    %dma_wait3A_72 = tpu.memref_slice %arg2[%select_n3A, %dma_wait3A_71] : memref<16x4096xf32, #tpu.memory_space<hbm>> -> memref<1x4096xf32, #tpu.memory_space<hbm>>
    %dma_wait3A_73 = tpu.memref_squeeze %dma_wait3A_72 : memref<1x4096xf32, #tpu.memory_space<hbm>> -> memref<4096xf32, #tpu.memory_space<hbm>>
    %dma_wait3A_74 = arith.constant 0 : i32
    %dma_wait3A_75 = tpu.memref_slice %arg2[%select_n3A, %dma_wait3A_74] : memref<16x4096xf32, #tpu.memory_space<hbm>> -> memref<1x4096xf32, #tpu.memory_space<hbm>>
    %dma_wait3A_76 = tpu.memref_squeeze %dma_wait3A_75 : memref<1x4096xf32, #tpu.memory_space<hbm>> -> memref<4096xf32, #tpu.memory_space<hbm>>
    tpu.wait_dma2 semaphore(%arg14 : memref<!tpu.dma_semaphore, #tpu.memory_space<semaphore_mem>>) src(%dma_wait3A_76 : memref<4096xf32, #tpu.memory_space<hbm>>) dst(%arg11 : memref<4096xf32, #tpu.memory_space<vmem>>)
    %get3A_77 = arith.constant 5 : index
    %get3A_78 = tpu.vector_load %arg9[%get3A_77] {strides = array<i32>} : memref<16xf32, #tpu.memory_space<vmem>>, vector<1xf32>,
    %get3A_79 = vector.shape_cast %get3A_78 : vector<1xf32> to vector<1xf32>
    %squeeze3A_80 = vector.extract %get3A_79[0] : f32 from vector<1xf32>
    %get3A_81 = arith.constant 5 : index
    %get3A_82 = tpu.vector_load %arg10[%get3A_81] {strides = array<i32>} : memref<16xf32, #tpu.memory_space<vmem>>, vector<1xf32>,
    %get3A_83 = vector.shape_cast %get3A_82 : vector<1xf32> to vector<1xf32>
    %squeeze3A_84 = vector.extract %get3A_83[0] : f32 from vector<1xf32>
    %get3A_85 = arith.constant 0 : index
    %get3A_86 = tpu.vector_load %arg11[%get3A_85] {strides = array<i32>} : memref<4096xf32, #tpu.memory_space<vmem>>, vector<1xf32>,
    %get3A_87 = vector.shape_cast %get3A_86 : vector<1xf32> to vector<1xf32>
    %squeeze3A_88 = vector.extract %get3A_87[0] : f32 from vector<1xf32>
    %sub3A_89 = arith.constant 1 : i32
    %sub3A_90 = arith.subi %squeeze3A, %sub3A_89 : i32
    %get3A_91 = arith.index_cast %sub3A_90 : i32 to index
    %get3A_92 = tpu.vector_load %arg11[%get3A_91] {strides = array<i32>} : memref<4096xf32, #tpu.memory_space<vmem>>, vector<1xf32>,
    %get3A_93 = vector.shape_cast %get3A_92 : vector<1xf32> to vector<1xf32>
    %squeeze3A_94 = vector.extract %get3A_93[0] : f32 from vector<1xf32>
    %broadcast_in_dim3A = vector.broadcast %squeeze3A_80 : f32 to vector<16xf32>
    %broadcast_in_dim3A_95 = vector.broadcast %squeeze3A_88 : f32 to vector<16xf32>
    %broadcast_in_dim3A_96 = vector.broadcast %squeeze3A_84 : f32 to vector<16xf32>
    %sub3A_97 = arith.subf %broadcast_in_dim3A_96, %broadcast_in_dim3A : vector<16xf32>
    %broadcast_in_dim3A_98 = vector.broadcast %squeeze3A_94 : f32 to vector<16xf32>
    %sub3A_99 = arith.subf %broadcast_in_dim3A_98, %broadcast_in_dim3A_95 : vector<16xf32>
    %div3A_100 = arith.divf %sub3A_97, %sub3A_99 : vector<16xf32>
    %scan3A = arith.constant 0 : i32
    %scan3A_101 = arith.constant 0 : i32
    %scan3A_102 = arith.constant 64 : i32
    %scan3A_103 = arith.addi %scan3A_101, %scan3A_102 : i32
    %scan3A_104 = arith.constant 1 : i32
    scf.for %scan3A_106 = %scan3A_101 to %scan3A_103 step %scan3A_104  : i32 {
      %mul3A_107 = arith.constant 32 : i32
      %mul3A_108 = arith.muli %scan3A_106, %mul3A_107 : i32
      %add3A_109 = arith.constant 0 : i32
      %add3A_110 = arith.addi %mul3A_108, %add3A_109 : i32
      %add3A_111 = arith.addi %squeeze3A, %mul3A_32 : i32
      %add3A_112 = arith.addi %add3A_111, %add3A_110 : i32
      %get3A_113 = arith.index_cast %add3A_112 : i32 to index
      %get3A_114 = tpu.vector_load %arg11[%get3A_113] {strides = array<i32>} : memref<4096xf32, #tpu.memory_space<vmem>>, vector<16xf32>,
      %get3A_115 = vector.shape_cast %get3A_114 : vector<16xf32> to vector<16xf32>
      %sub3A_116 = arith.subf %get3A_115, %broadcast_in_dim3A_95 : vector<16xf32>
      %mul3A_117 = arith.mulf %div3A_100, %sub3A_116 : vector<16xf32>
      %add3A_118 = arith.addf %mul3A_117, %broadcast_in_dim3A : vector<16xf32>
      %add3A_119 = arith.addi %mul3A_32, %add3A_110 : i32
      %add3A_120 = vector.broadcast %add3A_119 : i32 to vector<16xi32>
      %add3A_121 = arith.addi %add3A_120, %iota3A : vector<16xi32>
      %lt3A_122 = vector.broadcast %squeeze3A_50 : i32 to vector<16xi32>
      %lt3A_123 = arith.cmpi slt, %add3A_121, %lt3A_122 : vector<16xi32>
      %jit3A_124 = arith.constant -9.990000e+02 : f32
      %broadcast_in_dim3A_125 = vector.broadcast %jit3A_124 : f32 to vector<16xf32>
      %select_n3A_126 = arith.select %lt3A_123, %add3A_118, %broadcast_in_dim3A_125 : vector<16xi1>, vector<16xf32>
      %swap3A = arith.index_cast %add3A_110 : i32 to index
      %swap3A_127 = tpu.vector_load %arg12[%swap3A] {strides = array<i32>} : memref<2048xf32, #tpu.memory_space<vmem>>, vector<16xf32>,
      %swap3A_128 = vector.shape_cast %swap3A_127 : vector<16xf32> to vector<16xf32>
      %swap3A_129 = vector.shape_cast %select_n3A_126 : vector<16xf32> to vector<16xf32>
      tpu.vector_store %arg12[%swap3A], %swap3A_129 {strides = array<i32>} : memref<2048xf32, #tpu.memory_space<vmem>>, vector<16xf32>,
      %add3A_130 = arith.constant 16 : i32
      %add3A_131 = arith.addi %mul3A_108, %add3A_130 : i32
      %add3A_132 = arith.addi %squeeze3A, %mul3A_32 : i32
      %add3A_133 = arith.addi %add3A_132, %add3A_131 : i32
      %get3A_134 = arith.index_cast %add3A_133 : i32 to index
      %get3A_135 = tpu.vector_load %arg11[%get3A_134] {strides = array<i32>} : memref<4096xf32, #tpu.memory_space<vmem>>, vector<16xf32>,
      %get3A_136 = vector.shape_cast %get3A_135 : vector<16xf32> to vector<16xf32>
      %sub3A_137 = arith.subf %get3A_136, %broadcast_in_dim3A_95 : vector<16xf32>
      %mul3A_138 = arith.mulf %div3A_100, %sub3A_137 : vector<16xf32>
      %add3A_139 = arith.addf %mul3A_138, %broadcast_in_dim3A : vector<16xf32>
      %add3A_140 = arith.addi %mul3A_32, %add3A_131 : i32
      %add3A_141 = vector.broadcast %add3A_140 : i32 to vector<16xi32>
      %add3A_142 = arith.addi %add3A_141, %iota3A : vector<16xi32>
      %lt3A_143 = vector.broadcast %squeeze3A_50 : i32 to vector<16xi32>
      %lt3A_144 = arith.cmpi slt, %add3A_142, %lt3A_143 : vector<16xi32>
      %jit3A_145 = arith.constant -9.990000e+02 : f32
      %broadcast_in_dim3A_146 = vector.broadcast %jit3A_145 : f32 to vector<16xf32>
      %select_n3A_147 = arith.select %lt3A_144, %add3A_139, %broadcast_in_dim3A_146 : vector<16xi1>, vector<16xf32>
      %swap3A_148 = arith.index_cast %add3A_131 : i32 to index
      %swap3A_149 = tpu.vector_load %arg12[%swap3A_148] {strides = array<i32>} : memref<2048xf32, #tpu.memory_space<vmem>>, vector<16xf32>,
      %swap3A_150 = vector.shape_cast %swap3A_149 : vector<16xf32> to vector<16xf32>
      %swap3A_151 = vector.shape_cast %select_n3A_147 : vector<16xf32> to vector<16xf32>
      tpu.vector_store %arg12[%swap3A_148], %swap3A_151 {strides = array<i32>} : memref<2048xf32, #tpu.memory_space<vmem>>, vector<16xf32>,
    }
    %scan3A_105 = arith.constant 64 : i32
    "tpu.region"() ({
      %run_scoped3A = tpu.sem_alloc : memref<!tpu.dma_semaphore, #tpu.memory_space<semaphore_mem>>
      %dma_start3A_106 = tpu.memref_slice %arg6[%select_n3A, %mul3A_32] : memref<16x2048xf32, #tpu.memory_space<hbm>> -> memref<1x2048xf32, #tpu.memory_space<hbm>>
      %dma_start3A_107 = tpu.memref_squeeze %dma_start3A_106 : memref<1x2048xf32, #tpu.memory_space<hbm>> -> memref<2048xf32, #tpu.memory_space<hbm>>
      %dma_start3A_108 = tpu.memref_slice %arg6[%select_n3A, %mul3A_32] : memref<16x2048xf32, #tpu.memory_space<hbm>> -> memref<1x2048xf32, #tpu.memory_space<hbm>>
      %dma_start3A_109 = tpu.memref_squeeze %dma_start3A_108 : memref<1x2048xf32, #tpu.memory_space<hbm>> -> memref<2048xf32, #tpu.memory_space<hbm>>
      tpu.enqueue_dma source(%arg12 : memref<2048xf32, #tpu.memory_space<vmem>>) target(%dma_start3A_109 : memref<2048xf32, #tpu.memory_space<hbm>>) target_semaphore(%run_scoped3A : memref<!tpu.dma_semaphore, #tpu.memory_space<semaphore_mem>>)
      %dma_wait3A_110 = tpu.memref_slice %arg6[%select_n3A, %mul3A_32] : memref<16x2048xf32, #tpu.memory_space<hbm>> -> memref<1x2048xf32, #tpu.memory_space<hbm>>
      %dma_wait3A_111 = tpu.memref_squeeze %dma_wait3A_110 : memref<1x2048xf32, #tpu.memory_space<hbm>> -> memref<2048xf32, #tpu.memory_space<hbm>>
      %dma_wait3A_112 = tpu.memref_slice %arg6[%select_n3A, %mul3A_32] : memref<16x2048xf32, #tpu.memory_space<hbm>> -> memref<1x2048xf32, #tpu.memory_space<hbm>>
      %dma_wait3A_113 = tpu.memref_squeeze %dma_wait3A_112 : memref<1x2048xf32, #tpu.memory_space<hbm>> -> memref<2048xf32, #tpu.memory_space<hbm>>
      tpu.wait_dma2 semaphore(%run_scoped3A : memref<!tpu.dma_semaphore, #tpu.memory_space<semaphore_mem>>) src(%arg12 : memref<2048xf32, #tpu.memory_space<vmem>>) dst(%dma_wait3A_113 : memref<2048xf32, #tpu.memory_space<hbm>>)
      tpu.yield
    }) : () -> ()
    return
  }
}

module attributes {stable_mosaic.version = 14 : i64} {
  func.func @_tc_fill_body(%arg0: i32, %arg1: i32, %arg2: memref<8x1024xf32, #tpu.memory_space<vmem>>, %arg3: memref<8x1024x128xf32, #tpu.memory_space<vmem>>) attributes {dimension_semantics = [#tpu.dimension_semantics<arbitrary>, #tpu.dimension_semantics<arbitrary>], iteration_bounds = array<i64: 2, 2>, scalar_prefetch = 0 : i64, scratch_operands = 0 : i64, tpu.core_type = #tpu.core_type<tc>, window_params = [{transform_indices = @transform_0, window_bounds = array<i64: 8, 1024>}, {transform_indices = @transform_1, window_bounds = array<i64: 8, 1024, 128>}]} {
    %iota3A = tpu.iota {dimensions = array<i32: 1>} : vector<1024x128xi32>
    %get3A = arith.constant 0 : index
    %get3A_0 = arith.constant 0 : index
    %get3A_1 = vector.load %arg2[%get3A, %get3A_0] : memref<8x1024xf32, #tpu.memory_space<vmem>>, vector<1x1024xf32>
    %get3A_2 = vector.shape_cast %get3A_1 : vector<1x1024xf32> to vector<1024xf32>
    %reshape3A = vector.shape_cast %get3A_2 : vector<1024xf32> to vector<1024x1xf32>
    %eq3A = arith.constant 5 : i32
    %eq3A_3 = vector.broadcast %eq3A : i32 to vector<1024x128xi32>
    %eq3A_4 = arith.cmpi eq, %iota3A, %eq3A_3 : vector<1024x128xi32>
    %jit3A = arith.constant -9.990000e+02 : f32
    %broadcast_in_dim3A = vector.shape_cast %reshape3A : vector<1024x1xf32> to vector<1024x1xf32>
    %broadcast_in_dim3A_5 = vector.broadcast %broadcast_in_dim3A : vector<1024x1xf32> to vector<1024x128xf32>
    %broadcast_in_dim3A_6 = vector.broadcast %jit3A : f32 to vector<1024x128xf32>
    %select_n3A = arith.select %eq3A_4, %broadcast_in_dim3A_5, %broadcast_in_dim3A_6 : vector<1024x128xi1>, vector<1024x128xf32>
    %swap3A = arith.constant 0 : index
    %swap3A_7 = arith.constant 0 : index
    %swap3A_8 = arith.constant 0 : index
    %swap3A_9 = vector.load %arg3[%swap3A, %swap3A_7, %swap3A_8] : memref<8x1024x128xf32, #tpu.memory_space<vmem>>, vector<1x1024x128xf32>
    %swap3A_10 = vector.shape_cast %swap3A_9 : vector<1x1024x128xf32> to vector<1024x128xf32>
    %swap3A_11 = vector.shape_cast %select_n3A : vector<1024x128xf32> to vector<1x1024x128xf32>
    tpu.vector_store %arg3[%swap3A, %swap3A_7, %swap3A_8], %swap3A_11 {strides = array<i32>} : memref<8x1024x128xf32, #tpu.memory_space<vmem>>, vector<1x1024x128xf32>,
    %get3A_12 = arith.constant 1 : index
    %get3A_13 = arith.constant 0 : index
    %get3A_14 = vector.load %arg2[%get3A_12, %get3A_13] : memref<8x1024xf32, #tpu.memory_space<vmem>>, vector<1x1024xf32>
    %get3A_15 = vector.shape_cast %get3A_14 : vector<1x1024xf32> to vector<1024xf32>
    %reshape3A_16 = vector.shape_cast %get3A_15 : vector<1024xf32> to vector<1024x1xf32>
    %eq3A_17 = arith.constant 5 : i32
    %eq3A_18 = vector.broadcast %eq3A_17 : i32 to vector<1024x128xi32>
    %eq3A_19 = arith.cmpi eq, %iota3A, %eq3A_18 : vector<1024x128xi32>
    %jit3A_20 = arith.constant -9.990000e+02 : f32
    %broadcast_in_dim3A_21 = vector.shape_cast %reshape3A_16 : vector<1024x1xf32> to vector<1024x1xf32>
    %broadcast_in_dim3A_22 = vector.broadcast %broadcast_in_dim3A_21 : vector<1024x1xf32> to vector<1024x128xf32>
    %broadcast_in_dim3A_23 = vector.broadcast %jit3A_20 : f32 to vector<1024x128xf32>
    %select_n3A_24 = arith.select %eq3A_19, %broadcast_in_dim3A_22, %broadcast_in_dim3A_23 : vector<1024x128xi1>, vector<1024x128xf32>
    %swap3A_25 = arith.constant 1 : index
    %swap3A_26 = arith.constant 0 : index
    %swap3A_27 = arith.constant 0 : index
    %swap3A_28 = vector.load %arg3[%swap3A_25, %swap3A_26, %swap3A_27] : memref<8x1024x128xf32, #tpu.memory_space<vmem>>, vector<1x1024x128xf32>
    %swap3A_29 = vector.shape_cast %swap3A_28 : vector<1x1024x128xf32> to vector<1024x128xf32>
    %swap3A_30 = vector.shape_cast %select_n3A_24 : vector<1024x128xf32> to vector<1x1024x128xf32>
    tpu.vector_store %arg3[%swap3A_25, %swap3A_26, %swap3A_27], %swap3A_30 {strides = array<i32>} : memref<8x1024x128xf32, #tpu.memory_space<vmem>>, vector<1x1024x128xf32>,
    %get3A_31 = arith.constant 2 : index
    %get3A_32 = arith.constant 0 : index
    %get3A_33 = vector.load %arg2[%get3A_31, %get3A_32] : memref<8x1024xf32, #tpu.memory_space<vmem>>, vector<1x1024xf32>
    %get3A_34 = vector.shape_cast %get3A_33 : vector<1x1024xf32> to vector<1024xf32>
    %reshape3A_35 = vector.shape_cast %get3A_34 : vector<1024xf32> to vector<1024x1xf32>
    %eq3A_36 = arith.constant 5 : i32
    %eq3A_37 = vector.broadcast %eq3A_36 : i32 to vector<1024x128xi32>
    %eq3A_38 = arith.cmpi eq, %iota3A, %eq3A_37 : vector<1024x128xi32>
    %jit3A_39 = arith.constant -9.990000e+02 : f32
    %broadcast_in_dim3A_40 = vector.shape_cast %reshape3A_35 : vector<1024x1xf32> to vector<1024x1xf32>
    %broadcast_in_dim3A_41 = vector.broadcast %broadcast_in_dim3A_40 : vector<1024x1xf32> to vector<1024x128xf32>
    %broadcast_in_dim3A_42 = vector.broadcast %jit3A_39 : f32 to vector<1024x128xf32>
    %select_n3A_43 = arith.select %eq3A_38, %broadcast_in_dim3A_41, %broadcast_in_dim3A_42 : vector<1024x128xi1>, vector<1024x128xf32>
    %swap3A_44 = arith.constant 2 : index
    %swap3A_45 = arith.constant 0 : index
    %swap3A_46 = arith.constant 0 : index
    %swap3A_47 = vector.load %arg3[%swap3A_44, %swap3A_45, %swap3A_46] : memref<8x1024x128xf32, #tpu.memory_space<vmem>>, vector<1x1024x128xf32>
    %swap3A_48 = vector.shape_cast %swap3A_47 : vector<1x1024x128xf32> to vector<1024x128xf32>
    %swap3A_49 = vector.shape_cast %select_n3A_43 : vector<1024x128xf32> to vector<1x1024x128xf32>
    tpu.vector_store %arg3[%swap3A_44, %swap3A_45, %swap3A_46], %swap3A_49 {strides = array<i32>} : memref<8x1024x128xf32, #tpu.memory_space<vmem>>, vector<1x1024x128xf32>,
    %get3A_50 = arith.constant 3 : index
    %get3A_51 = arith.constant 0 : index
    %get3A_52 = vector.load %arg2[%get3A_50, %get3A_51] : memref<8x1024xf32, #tpu.memory_space<vmem>>, vector<1x1024xf32>
    %get3A_53 = vector.shape_cast %get3A_52 : vector<1x1024xf32> to vector<1024xf32>
    %reshape3A_54 = vector.shape_cast %get3A_53 : vector<1024xf32> to vector<1024x1xf32>
    %eq3A_55 = arith.constant 5 : i32
    %eq3A_56 = vector.broadcast %eq3A_55 : i32 to vector<1024x128xi32>
    %eq3A_57 = arith.cmpi eq, %iota3A, %eq3A_56 : vector<1024x128xi32>
    %jit3A_58 = arith.constant -9.990000e+02 : f32
    %broadcast_in_dim3A_59 = vector.shape_cast %reshape3A_54 : vector<1024x1xf32> to vector<1024x1xf32>
    %broadcast_in_dim3A_60 = vector.broadcast %broadcast_in_dim3A_59 : vector<1024x1xf32> to vector<1024x128xf32>
    %broadcast_in_dim3A_61 = vector.broadcast %jit3A_58 : f32 to vector<1024x128xf32>
    %select_n3A_62 = arith.select %eq3A_57, %broadcast_in_dim3A_60, %broadcast_in_dim3A_61 : vector<1024x128xi1>, vector<1024x128xf32>
    %swap3A_63 = arith.constant 3 : index
    %swap3A_64 = arith.constant 0 : index
    %swap3A_65 = arith.constant 0 : index
    %swap3A_66 = vector.load %arg3[%swap3A_63, %swap3A_64, %swap3A_65] : memref<8x1024x128xf32, #tpu.memory_space<vmem>>, vector<1x1024x128xf32>
    %swap3A_67 = vector.shape_cast %swap3A_66 : vector<1x1024x128xf32> to vector<1024x128xf32>
    %swap3A_68 = vector.shape_cast %select_n3A_62 : vector<1024x128xf32> to vector<1x1024x128xf32>
    tpu.vector_store %arg3[%swap3A_63, %swap3A_64, %swap3A_65], %swap3A_68 {strides = array<i32>} : memref<8x1024x128xf32, #tpu.memory_space<vmem>>, vector<1x1024x128xf32>,
    %get3A_69 = arith.constant 4 : index
    %get3A_70 = arith.constant 0 : index
    %get3A_71 = vector.load %arg2[%get3A_69, %get3A_70] : memref<8x1024xf32, #tpu.memory_space<vmem>>, vector<1x1024xf32>
    %get3A_72 = vector.shape_cast %get3A_71 : vector<1x1024xf32> to vector<1024xf32>
    %reshape3A_73 = vector.shape_cast %get3A_72 : vector<1024xf32> to vector<1024x1xf32>
    %eq3A_74 = arith.constant 5 : i32
    %eq3A_75 = vector.broadcast %eq3A_74 : i32 to vector<1024x128xi32>
    %eq3A_76 = arith.cmpi eq, %iota3A, %eq3A_75 : vector<1024x128xi32>
    %jit3A_77 = arith.constant -9.990000e+02 : f32
    %broadcast_in_dim3A_78 = vector.shape_cast %reshape3A_73 : vector<1024x1xf32> to vector<1024x1xf32>
    %broadcast_in_dim3A_79 = vector.broadcast %broadcast_in_dim3A_78 : vector<1024x1xf32> to vector<1024x128xf32>
    %broadcast_in_dim3A_80 = vector.broadcast %jit3A_77 : f32 to vector<1024x128xf32>
    %select_n3A_81 = arith.select %eq3A_76, %broadcast_in_dim3A_79, %broadcast_in_dim3A_80 : vector<1024x128xi1>, vector<1024x128xf32>
    %swap3A_82 = arith.constant 4 : index
    %swap3A_83 = arith.constant 0 : index
    %swap3A_84 = arith.constant 0 : index
    %swap3A_85 = vector.load %arg3[%swap3A_82, %swap3A_83, %swap3A_84] : memref<8x1024x128xf32, #tpu.memory_space<vmem>>, vector<1x1024x128xf32>
    %swap3A_86 = vector.shape_cast %swap3A_85 : vector<1x1024x128xf32> to vector<1024x128xf32>
    %swap3A_87 = vector.shape_cast %select_n3A_81 : vector<1024x128xf32> to vector<1x1024x128xf32>
    tpu.vector_store %arg3[%swap3A_82, %swap3A_83, %swap3A_84], %swap3A_87 {strides = array<i32>} : memref<8x1024x128xf32, #tpu.memory_space<vmem>>, vector<1x1024x128xf32>,
    %get3A_88 = arith.constant 5 : index
    %get3A_89 = arith.constant 0 : index
    %get3A_90 = vector.load %arg2[%get3A_88, %get3A_89] : memref<8x1024xf32, #tpu.memory_space<vmem>>, vector<1x1024xf32>
    %get3A_91 = vector.shape_cast %get3A_90 : vector<1x1024xf32> to vector<1024xf32>
    %reshape3A_92 = vector.shape_cast %get3A_91 : vector<1024xf32> to vector<1024x1xf32>
    %eq3A_93 = arith.constant 5 : i32
    %eq3A_94 = vector.broadcast %eq3A_93 : i32 to vector<1024x128xi32>
    %eq3A_95 = arith.cmpi eq, %iota3A, %eq3A_94 : vector<1024x128xi32>
    %jit3A_96 = arith.constant -9.990000e+02 : f32
    %broadcast_in_dim3A_97 = vector.shape_cast %reshape3A_92 : vector<1024x1xf32> to vector<1024x1xf32>
    %broadcast_in_dim3A_98 = vector.broadcast %broadcast_in_dim3A_97 : vector<1024x1xf32> to vector<1024x128xf32>
    %broadcast_in_dim3A_99 = vector.broadcast %jit3A_96 : f32 to vector<1024x128xf32>
    %select_n3A_100 = arith.select %eq3A_95, %broadcast_in_dim3A_98, %broadcast_in_dim3A_99 : vector<1024x128xi1>, vector<1024x128xf32>
    %swap3A_101 = arith.constant 5 : index
    %swap3A_102 = arith.constant 0 : index
    %swap3A_103 = arith.constant 0 : index
    %swap3A_104 = vector.load %arg3[%swap3A_101, %swap3A_102, %swap3A_103] : memref<8x1024x128xf32, #tpu.memory_space<vmem>>, vector<1x1024x128xf32>
    %swap3A_105 = vector.shape_cast %swap3A_104 : vector<1x1024x128xf32> to vector<1024x128xf32>
    %swap3A_106 = vector.shape_cast %select_n3A_100 : vector<1024x128xf32> to vector<1x1024x128xf32>
    tpu.vector_store %arg3[%swap3A_101, %swap3A_102, %swap3A_103], %swap3A_106 {strides = array<i32>} : memref<8x1024x128xf32, #tpu.memory_space<vmem>>, vector<1x1024x128xf32>,
    %get3A_107 = arith.constant 6 : index
    %get3A_108 = arith.constant 0 : index
    %get3A_109 = vector.load %arg2[%get3A_107, %get3A_108] : memref<8x1024xf32, #tpu.memory_space<vmem>>, vector<1x1024xf32>
    %get3A_110 = vector.shape_cast %get3A_109 : vector<1x1024xf32> to vector<1024xf32>
    %reshape3A_111 = vector.shape_cast %get3A_110 : vector<1024xf32> to vector<1024x1xf32>
    %eq3A_112 = arith.constant 5 : i32
    %eq3A_113 = vector.broadcast %eq3A_112 : i32 to vector<1024x128xi32>
    %eq3A_114 = arith.cmpi eq, %iota3A, %eq3A_113 : vector<1024x128xi32>
    %jit3A_115 = arith.constant -9.990000e+02 : f32
    %broadcast_in_dim3A_116 = vector.shape_cast %reshape3A_111 : vector<1024x1xf32> to vector<1024x1xf32>
    %broadcast_in_dim3A_117 = vector.broadcast %broadcast_in_dim3A_116 : vector<1024x1xf32> to vector<1024x128xf32>
    %broadcast_in_dim3A_118 = vector.broadcast %jit3A_115 : f32 to vector<1024x128xf32>
    %select_n3A_119 = arith.select %eq3A_114, %broadcast_in_dim3A_117, %broadcast_in_dim3A_118 : vector<1024x128xi1>, vector<1024x128xf32>
    %swap3A_120 = arith.constant 6 : index
    %swap3A_121 = arith.constant 0 : index
    %swap3A_122 = arith.constant 0 : index
    %swap3A_123 = vector.load %arg3[%swap3A_120, %swap3A_121, %swap3A_122] : memref<8x1024x128xf32, #tpu.memory_space<vmem>>, vector<1x1024x128xf32>
    %swap3A_124 = vector.shape_cast %swap3A_123 : vector<1x1024x128xf32> to vector<1024x128xf32>
    %swap3A_125 = vector.shape_cast %select_n3A_119 : vector<1024x128xf32> to vector<1x1024x128xf32>
    tpu.vector_store %arg3[%swap3A_120, %swap3A_121, %swap3A_122], %swap3A_125 {strides = array<i32>} : memref<8x1024x128xf32, #tpu.memory_space<vmem>>, vector<1x1024x128xf32>,
    %get3A_126 = arith.constant 7 : index
    %get3A_127 = arith.constant 0 : index
    %get3A_128 = vector.load %arg2[%get3A_126, %get3A_127] : memref<8x1024xf32, #tpu.memory_space<vmem>>, vector<1x1024xf32>
    %get3A_129 = vector.shape_cast %get3A_128 : vector<1x1024xf32> to vector<1024xf32>
    %reshape3A_130 = vector.shape_cast %get3A_129 : vector<1024xf32> to vector<1024x1xf32>
    %eq3A_131 = arith.constant 5 : i32
    %eq3A_132 = vector.broadcast %eq3A_131 : i32 to vector<1024x128xi32>
    %eq3A_133 = arith.cmpi eq, %iota3A, %eq3A_132 : vector<1024x128xi32>
    %jit3A_134 = arith.constant -9.990000e+02 : f32
    %broadcast_in_dim3A_135 = vector.shape_cast %reshape3A_130 : vector<1024x1xf32> to vector<1024x1xf32>
    %broadcast_in_dim3A_136 = vector.broadcast %broadcast_in_dim3A_135 : vector<1024x1xf32> to vector<1024x128xf32>
    %broadcast_in_dim3A_137 = vector.broadcast %jit3A_134 : f32 to vector<1024x128xf32>
    %select_n3A_138 = arith.select %eq3A_133, %broadcast_in_dim3A_136, %broadcast_in_dim3A_137 : vector<1024x128xi1>, vector<1024x128xf32>
    %swap3A_139 = arith.constant 7 : index
    %swap3A_140 = arith.constant 0 : index
    %swap3A_141 = arith.constant 0 : index
    %swap3A_142 = vector.load %arg3[%swap3A_139, %swap3A_140, %swap3A_141] : memref<8x1024x128xf32, #tpu.memory_space<vmem>>, vector<1x1024x128xf32>
    %swap3A_143 = vector.shape_cast %swap3A_142 : vector<1x1024x128xf32> to vector<1024x128xf32>
    %swap3A_144 = vector.shape_cast %select_n3A_138 : vector<1024x128xf32> to vector<1x1024x128xf32>
    tpu.vector_store %arg3[%swap3A_139, %swap3A_140, %swap3A_141], %swap3A_144 {strides = array<i32>} : memref<8x1024x128xf32, #tpu.memory_space<vmem>>, vector<1x1024x128xf32>,
    return
  }
  func.func @transform_0(%arg0: i32, %arg1: i32) -> (i32, i32) {
    %c0_i32 = arith.constant 0 : i32
    return %arg0, %arg1 : i32, i32
  }
  func.func @transform_1(%arg0: i32, %arg1: i32) -> (i32, i32, i32) {
    %c0_i32 = arith.constant 0 : i32
    %c0_i32_0 = arith.constant 0 : i32
    return %arg0, %arg1, %c0_i32 : i32, i32, i32
  }
}

</mosaic_0001>

<sc_bundles>
// kernel: kernel.4.cloned.1.call-start
scs
__scs_entry_jumppad:
0x0: {  	(pc) =	sbr.rel $0x88, $3  }
0x1: {  	(tag) =	ssettag $0x0;
	lr =	simm.s32 $0x1  }
0x2: {  	[smem:$0x3F9D] =	sst lr;
	_ =	strace $0xD0000000  }
0x3: {  	_ = 	snop  }
0x4: {  	_ = 	snop  }
0x5: {  	_ = 	snop  }
0x6: {  	_ = 	snop  }
0x7: {  	_ = 	snop  }
__scs_overlays_trampoline_lowered:
0x8: {  	[smem:$0x3FAC] =	sst s0  }
0x9: {  	[smem:$0x3FAD] =	sst s1  }
0xa: {  	[smem:$0x3FAE] =	sst s2  }
0xb: {  	[smem:$0x3FAF] =	sst s3  }
0xc: {  	[smem:$0x3FB0] =	sst s4  }
0xd: {  	[smem:$0x3FB1] =	sst s5  }
0xe: {  	[smem:$0x3FB2] =	sst s6  }
0xf: {  	[smem:$0x3FB3] =	sst s7  }
0x10: {  	[smem:$0x3FB4] =	sst s8  }
0x11: {  	[smem:$0x3FB5] =	sst s9;
	s0 =	simm.s32 @!p0 $0x0  }
0x12: {  	s1 =	sld [smem:$0x3F9B];
	s0 =	simm.s32 @p0 $0x1  }
0x13: {  	[smem:$0x3FB6] =	sst s0;
	s0 =	simm.s32 @!p1 $0x0  }
0x14: {  	s2 =	sld [smem:$0x3F9A];
	s0 =	simm.s32 @p1 $0x1  }
0x15: {  	[smem:$0x3FB7] =	sst s0;
	s0 =	simm.s32 @!p2 $0x0  }
0x16: {  	s3 =	sld [smem:$0x3FDB];
	s0 =	simm.s32 @p2 $0x1  }
0x17: {  	s4 =	simm.s32 $0x1BF5;
	[smem:$0x3FB9] =	sst s0  }
0x18: {  	s0 =	sld [smem:$0x3F9C];
	_ =	swait.ge [sflag:s4], $0x0  }
0x19: {  	s7 =	sld [smem:$0x3F9D]  }
0x1a: {  	s8 =	sadd.s32 $0xFFFFE003, lr  }
0x1b: {  	s9 =	sadd.s32 $0xFFFFFEF7, lr;
	s5 =	simm.s32 $0xFFFFFFFF;
	p2 =	slt.u32 s8, $0xFFFFF086  }
0x1c: {  	p1 =	slt.u32 s9, $0xF7A;
	s5 =	simm.s32 @!p2 $0x0  }
0x1d: {  	s5 =	simm.s32 @p1 $0x1;
	p0 =	seq.s32 s7, s2  }
0x1e: {  	s7 =	smul.u32 @!p0 $0xF7A, s2;
	p2 =	seq.s32 @!p0 s5, $0x0  }
0x1f: {  	s9 =	smul.u32 $0xF7A, s1;
	s8 =	simm.s32 @!p0 $0x1BF5;
	p2 =	por !p2, p0  }
0x20: {  	[sflag:s8] =	ssyncset.s32 @!p0 $0xFFFFF086;
	s6 =	sadd.s32 @!p0 s3, s7;
	s7 =	simm.s32 @!p0 $0x108  }
0x21: {  	s3 =	sadd.s32 s3, s9;
	s6 =	sadd.s32 @!p0 $0x88, s6;
	s7 =	simm.s32 @p2 $0x1082  }
0x22: {  	[simem:s7], [sflag:s8] =	dma.local @!p0 [hbm:s6], $0xF7A  }
0x23: {  	s9 =	sor.u32 $0xD0000000, s2;
	s6 =	simm.s32 $0x108;
	_ =	swait.ge @!p0 [sflag:s8], $0x0  }
0x24: {  	s3 =	sadd.s32 $0x88, s3;
	s6 =	simm.s32 @!p1 $0x1082;
	[sflag:s4] =	ssyncset.s32 $0xFFFFF086  }
0x25: {  	[simem:s6], [sflag:s4] =	dma.local [hbm:s3], $0xF7A  }
0x26: {  	[smem:$0x3F9D] =	sst s1;
	(tag) =	ssettag s2;
	_ =	strace s9  }
0x27: {  	s1 =	sld [smem:$0x3FAD]  }
0x28: {  	s2 =	sld [smem:$0x3FAE]  }
0x29: {  	s4 =	sld [smem:$0x3FB0]  }
0x2a: {  	p0 =	seq.s32 s5, $0x0;
	s5 =	sld [smem:$0x3FB1]  }
0x2b: {  	s6 =	sld [smem:$0x3FB2]  }
0x2c: {  	s7 =	sld [smem:$0x3FB3]  }
0x2d: {  	s3 =	simm.s32 $0x108;
	s8 =	sld [smem:$0x3FB4]  }
0x2e: {  	s3 =	simm.s32 @!p0 $0x1082;
	s9 =	sld [smem:$0x3FB5]  }
0x2f: {  	lr =	sadd.s32 s0, s3;
	s0 =	sld [smem:$0x3FAC]  }
0x30: {  	s3 =	sld [smem:$0x3FAF]  }
0x31: {  	[smem:$0x3FB8] =	sst s10  }
0x32: {  	s10 =	sld [smem:$0x3FB6];
	_ =	sdelay $0x3  }
0x33: {  	p0 =	seq.s32 s10, $0x1;
	s10 =	sld [smem:$0x3FB8];
	_ =	sdelay $0x3  }
0x34: {  	[smem:$0x3FB8] =	sst s10  }
0x35: {  	s10 =	sld [smem:$0x3FB7];
	_ =	sdelay $0x3  }
0x36: {  	p1 =	seq.s32 s10, $0x1;
	s10 =	sld [smem:$0x3FB8];
	_ =	sdelay $0x3  }
0x37: {  	[smem:$0x3FB8] =	sst s10  }
0x38: {  	s10 =	sld [smem:$0x3FB9]  }
0x39: {  	_ = 	snop;
	(pc) =	sbr.ind lr, $3  }
0x3a: {  	_ = 	snop  }
0x3b: {  	_ = 	snop  }
0x3c: {  	p2 =	seq.s32 s10, $0x1;
	s10 =	sld [smem:$0x3FB8]  }
0x3d: {  	_ =	shalt  }
0x3e: {  	_ =	shalt  }
0x3f: {  	_ =	shalt  }
0x40: {  	_ =	shalt  }
0x41: {  	_ =	shalt  }
0x42: {  	_ =	shalt  }
0x43: {  	_ =	shalt  }
0x44: {  	_ =	shalt  }
0x45: {  	_ =	shalt  }
0x46: {  	_ =	shalt  }
0x47: {  	_ =	shalt  }
0x48: {  	_ =	shalt  }
0x49: {  	_ =	shalt  }
0x4a: {  	_ =	shalt  }
0x4b: {  	_ =	shalt  }
0x4c: {  	_ =	shalt  }
0x4d: {  	_ =	shalt  }
0x4e: {  	_ =	shalt  }
0x4f: {  	_ =	shalt  }
0x50: {  	_ =	shalt  }
0x51: {  	_ =	shalt  }
0x52: {  	_ =	shalt  }
0x53: {  	_ =	shalt  }
0x54: {  	_ =	shalt  }
0x55: {  	_ =	shalt  }
0x56: {  	_ =	shalt  }
0x57: {  	_ =	shalt  }
0x58: {  	_ =	shalt  }
0x59: {  	_ =	shalt  }
0x5a: {  	_ =	shalt  }
0x5b: {  	_ =	shalt  }
0x5c: {  	_ =	shalt  }
0x5d: {  	_ =	shalt  }
0x5e: {  	_ =	shalt  }
0x5f: {  	_ =	shalt  }
0x60: {  	_ =	shalt  }
0x61: {  	_ =	shalt  }
0x62: {  	_ =	shalt  }
0x63: {  	_ =	shalt  }
0x64: {  	_ =	shalt  }
0x65: {  	_ =	shalt  }
0x66: {  	_ =	shalt  }
0x67: {  	_ =	shalt  }
0x68: {  	_ =	shalt  }
0x69: {  	_ =	shalt  }
0x6a: {  	_ =	shalt  }
0x6b: {  	_ =	shalt  }
0x6c: {  	_ =	shalt  }
0x6d: {  	_ =	shalt  }
0x6e: {  	_ =	shalt  }
0x6f: {  	_ =	shalt  }
0x70: {  	_ =	shalt  }
0x71: {  	_ =	shalt  }
0x72: {  	_ =	shalt  }
0x73: {  	_ =	shalt  }
0x74: {  	_ =	shalt  }
0x75: {  	_ =	shalt  }
0x76: {  	_ =	shalt  }
0x77: {  	_ =	shalt  }
0x78: {  	_ =	shalt  }
0x79: {  	_ =	shalt  }
0x7a: {  	_ =	shalt  }
0x7b: {  	_ =	shalt  }
0x7c: {  	_ =	shalt  }
0x7d: {  	_ =	shalt  }
0x7e: {  	_ =	shalt  }
0x7f: {  	_ =	shalt  }
0x80: {  	_ =	shalt  }
0x81: {  	_ =	shalt  }
0x82: {  	_ =	shalt  }
0x83: {  	_ =	shalt  }
0x84: {  	_ =	shalt  }
0x85: {  	_ =	shalt  }
0x86: {  	_ =	shalt  }
0x87: {  	_ =	shalt  }
.Lfunc_end0:
.L_simem_size_0:
called_computation_lowered:
.L_overlay_start_0:
0x88: {  	s0 =	sld [smem:$0x3FD9]  }
0x89: {  	s1 =	sld [smem:$0x3FFE];
	_ =	sdelay $0x3  }
0x8a: {  	s0 =	sadd.s32 s1, s0  }
0x8b: {  	[smem:$0x3FC4] =	sst s0  }
0x8c: {  	_ = 	snop  }
0x8d: {  	s0 =	sld [smem:$0x3FC9]  }
0x8e: {  	s17 =	sld [smem:$0x3FC8]  }
0x8f: {  	s2 =	sld [smem:$0x3FC7]  }
0x90: {  	s3 =	sld [smem:$0x3FC6]  }
0x91: {  	s4 =	sld [smem:$0x3FD0];
	(tm) =	ssettm $0x1  }
0x92: {  	s5 =	sld [smem:$0x3FFB];
	_ =	sdelay $0x3  }
0x93: {  	_ =	strace s5  }
0x94: {  	s5 =	sld [smem:$0x3FFC];
	_ =	sdelay $0x3  }
0x95: {  	_ =	strace s5  }
0x96: {  	s5 =	sld [smem:$0x3FFD];
	_ =	sdelay $0x3  }
0x97: {  	_ =	strace s5  }
0x98: {  	_ =	strace $0x8FFFFFFF  }
0x99: {  	s18 =	sld [smem:$0x3FDB];
	_ =	sdelay $0x1  }
0x9a: {  	s6 =	simm.s32 $_scs_section_size  }
0x9b: {  	s7 =	simm.s32 $_size__tile_overlayer_lowered;
	s8 =	simm.s32 $_tile_overlayer_lowered  }
0x9c: {  	s21 =	simm.s32 $0x1BFF;
	s20 =	sshll.u32 s8, $0x1;
	s5 =	sadd.s32 s6, s18  }
0x9d: {  	s9 =	simm.s32 $0x0;
	s19 =	sshll.u32 s7, $0x1;
	s7 =	sadd.s32 s20, s5  }
0x9e: {  	[timem:s9], [sflag:s21] =	dma.local [hbm:s7], s19  }
0x9f: {  	_ =	swait.ge [sflag:s21], s19  }
0xa0: {  	s6 =	ssub.s32 $0x0, s19;
	[sflag:s21] =	ssyncset.done $0x0  }
0xa1: {  	[sflag:s21] =	ssyncadd.s32 s6;
	_ =	sdelay $0x1  }
0xa2: {  	s22 =	simm.s32 $0x1B8B  }
0xa3: {  	_ =	swait.ge [sflag:s22], $0x1  }
0xa4: {  	[sflag:s22] =	ssyncset.done $0x0  }
0xa5: {  	s23 =	simm.s32 $0x1B8E;
	[sflag:s22] =	ssyncadd.s32 $0xFFFFFFFF  }
0xa6: {  	s24 =	simm.s32 $execute0_lowered;
	[smem:$0x3FD2] =	sst s23  }
0xa7: {  	s6 =	sshll.u32 s24, $0x1;
	_ =	strace $0x80000046;
	[dreg:$0x1] =	wrdreg $0xFFFFFFFF  }
0xa8: {  	s25 =	simm.s32 $_size_execute0_lowered;
	s5 =	sadd.s32 s5, s6;
	[dreg:$0x0] =	wrdreg $0x0  }
0xa9: {  	s6 =	sshll.u32 s25, $0x1;
	[dreg:$0x2] =	wrdreg s5  }
0xaa: {  	[dreg:$0x3] =	wrdreg s6  }
0xab: {  	[dreg:$0x4] =	wrdreg $0xC0  }
0xac: {  	_ =	task [dreg:s9], $0x5FFFF  }
0xad: {  	[dreg:$0x1] =	wrdreg $0xFFFFFFFF  }
0xae: {  	[dreg:$0x0] =	wrdreg $0x60  }
0xaf: {  	[dreg:$0x2] =	wrdreg s17  }
0xb0: {  	[dreg:$0x3] =	wrdreg s0  }
0xb1: {  	[dreg:$0x4] =	wrdreg s2  }
0xb2: {  	[dreg:$0x5] =	wrdreg s3  }
0xb3: {  	[dreg:$0x6] =	wrdreg s4  }
0xb4: {  	[dreg:$0x7] =	wrdreg $0x9  }
0xb5: {  	_ =	task.clear_ibuf [dreg:s9], $0x8FFFF;
	_ =	strace $0x90000046  }
0xb6: {  	s26 =	simm.s32 $0x9;
	_ =	strace $0x80000048  }
0xb7: {  	_ =	swait.ge [sflag:s26], $0x1  }
0xb8: {  	[sflag:s26] =	ssyncadd.s32 $0xFFFFFFFF  }
0xb9: {  	_ =	strace $0x90000048  }
0xba: {  	_ =	sfence  }
0xbb: {  	s28 =	sld [smem:$0x0];
	_ =	sdelay $0x1  }
0xbc: {  	s29 =	srdreg.scid  }
0xbd: {  	s30 =	sshll.u32 s29, $0xD;
	s31 =	sshrl.u32 s29, $0x2  }
0xbe: {  	s1 =	sand.u32 $0x1, s29;
	s2 =	sand.u32 $0x4000, s30;
	s0 =	sadd.s32 s31, s28  }
0xbf: {  	s1 =	sor.u32 s2, s1;
	s0 =	sshll.u32 s0, $0x11  }
0xc0: {  	s0 =	sor.u32 s0, s1  }
0xc1: {  	s0 =	sadd.s32 $0x8F2B, s0  }
0xc2: {  	[sflag:s0] =	ssyncadd.remote.s32 $0x1  }
0xc3: {  	_ =	sfence.sel $0xFFFF  }
0xc4: {  	[dreg:$0x0] =	wrdreg $0xFFFFFFFF;
	(pc) =	sbr.abs _section_cstart, $3  }
0xc5: {  	[dreg:$0x1] =	wrdreg $0xFFFFFFFF  }
0xc6: {  	_ =	task.clear_ibuf [dreg:s9], $0x2FFFF;
	_ =	strace $0x9FFFFFFF  }
0xc7: {  	(tm) =	ssettm $0x7FFFFFFF  }
tec
execute0_lowered:
.L_overlay_start_1:
0x0: {  	(tag) =	ssettag $0x1  }
0x1: {  	s6 =	rddreg [dreg:$0x0]  }
0x2: {  	s7 =	rddreg [dreg:$0x1]  }
0x3: {  	s8 =	rddreg [dreg:$0x2]  }
0x4: {  	s9 =	rddreg [dreg:$0x3]  }
0x5: {  	s2 =	rddreg [dreg:$0x4];
	s1 =	stileid.u32  }
0x6: {  	s5 =	simm.s32 $0x0;
	s3 =	sshrl.u32 s1, $0x3;
	s4 =	sshll.u32 s1, $0x7  }
0x7: {  	[smem:$0x7FF] =	sst s5;
	s4 =	sand.u32 $0x380, s4;
	s10 =	sshll.u32 s3, $0xF  }
0x8: {  	s0 =	rddreg [dreg:$0x5];
	_ =	strace $0x80000047;
	s10 =	sor.u32 s4, s10  }
0x9: {  	[tilespmem:s5], [sflag:$0x1] =	stream.linear.gather [hbm4b:s8+s5], $0x80, $0x38;
	[tilespmem:$0x1A00] =	vst v63  }
0xa: {  	s16 =	simm.s32 $0x80;
	s18 =	simm.s32 $0x400;
	s10 =	sshrl.u32 s10, $0x3  }
0xb: {  	[tilespmem:s16], [sflag:$0x1] =	stream.linear.gather [hbm4b:s9+s5], $0x80, $0x38;
	[tilespmem:$0x1A00] =	vst v63  }
0xc: {  	s11 =	simm.s32 $0x200;
	s17 =	sshll.u32 s1, $0xF;
	s6 =	sadd.s32 s6, s10  }
0xd: {  	[tilespmem:s11], [sflag:$0x2] =	stream.strided.gather [hbm4b:s6+s16], $0x1000, s18, s16, $0x38;
	[tilespmem:$0x1A00] =	vst v63  }
0xe: {  	s20 =	simm.s32 $0x100;
	s21 =	simm.s32 $0x1;
	s19 =	sadd.s32 s7, s17  }
0xf: {  	[tilespmem:s20], [sflag:$0x2] =	stream.linear.gather [hbm4b:s19+s5], $0x10, $0x38;
	[tilespmem:$0x1A00] =	vst v63  }
0x10: {  	_ =	swait.ge [sflag:s21], $0x80  }
0x11: {  	[sflag:s21] =	ssyncset.done $0x0  }
0x12: {  	[sflag:s21] =	ssyncadd.s32 $0xFFFFFF80  }
0x13: {  	_ =	swait.ge [sflag:s21], $0x80  }
0x14: {  	[sflag:s21] =	ssyncset.done $0x0  }
0x15: {  	[sflag:s21] =	ssyncadd.s32 $0xFFFFFF80  }
0x16: {  	v0 =	vld.msk [tilespmem:s1+$0x0], $0x1;
	_ =	sdelay $0x4  }
0x17: {  	(v2sf) =	vpush v0, $0x0;
	_ =	sdelay $0xe  }
0x18: {  	s22 =	spop (v2sf)  }
0x19: {  	s23 =	sshll.u32 s22, $0x7  }
0x1a: {  	s9 =	sadd.s32 $0xFFFFFF80, s23  }
0x1b: {  	s24 =	sshll.u32 s1, $0x12;
	s25 =	sand.u32 $0xFFFFFC00, s9  }
0x1c: {  	s9 =	sand.u32 $0x380, s9;
	s10 =	sadd.s32 s24, s25  }
0x1d: {  	s9 =	sor.u32 s9, s10  }
0x1e: {  	s9 =	sshrl.u32 s9, $0x3  }
0x1f: {  	s28 =	simm.s32 $0x180;
	s26 =	sor.u32 $0x80, s1;
	s7 =	sadd.s32 s7, s9  }
0x20: {  	v1 =	vld.msk [tilespmem:s26+$0x0], $0x1;
	[tilespmem:s28], [sflag:$0x1] =	stream.linear.gather [hbm4b:s7+s5], $0x10, $0x38  }
0x21: {  	_ =	swait.ge [sflag:s21], $0x10  }
0x22: {  	[sflag:s21] =	ssyncset.done $0x0  }
0x23: {  	s29 =	simm.s32 $0x2;
	[sflag:s21] =	ssyncadd.s32 $0xFFFFFFF0  }
0x24: {  	_ =	swait.ge [sflag:s29], $0x10  }
0x25: {  	[sflag:s29] =	ssyncset.done $0x0  }
0x26: {  	[sflag:s29] =	ssyncadd.s32 $0xFFFFFFF0  }
0x27: {  	_ =	swait.ge [sflag:s29], $0x1000  }
0x28: {  	[sflag:s29] =	ssyncset.done $0x0  }
0x29: {  	[sflag:s29] =	ssyncadd.s32 $0xFFFFF000  }
0x2a: {  	v0 =	vld.msk [tilespmem:$0x200], $0x1  }
0x2b: {  	v2 =	vld.msk [tilespmem:s22+$0x1FF], $0x1;
	_ =	sdelay $0x4  }
0x2c: {  	v2 =	vsub.f32 v2, v0;
	_ =	sdelay $0x1  }
0x2d: {  	v2 =	vbroadcast v2, $0x0;
	_ =	sdelay $0x1  }
0x2e: {  	v4 =	vld.msk [tilespmem:$0x105], $0x1;
	(erf) = vrcp.f32 v2  }
0x2f: {  	s30 =	sshll.u32 s22, $0x2;
	v2 =	vld.msk [tilespmem:$0x185], $0x1  }
0x30: {  	s6 =	sadd.s32 $0x40, s30  }
0x31: {  	s6 =	sshra.s32 s6, $0x2  }
0x32: {  	s6 =	sadd.s32 $0x200, s6  }
0x33: {  	v5 =	vld [tilespmem:s6+$0xFFFFFFF0]  }
0x34: {  	v2 =	vsub.f32 v2, v4;
	_ =	sdelay $0x1  }
0x35: {  	v0 =	vbroadcast v0, $0x0;
	v2 =	vbroadcast v2, $0x0  }
0x36: {  	v3 =	vpop (erf)  }
0x37: {  	v5 =	vsub.f32 v5, v0;
	v3 =	vmul.f32 v3, v2;
	_ =	sdelay $0x1  }
0x38: {  	v2 =	vbroadcast v4, $0x0;
	v5 =	vmul.f32 v5, v3  }
0x39: {  	v1 =	vbroadcast v1, $0x0;
	v4 =	vlaneseq.u32  }
0x3a: {  	v6 =	vor.u32 s5, v4;
	v5 =	vadd.f32 v5, v2  }
0x3b: {  	vm0 =	vlt.s32 v6, v1  }
0x3c: {  	s5 =	simm.s32 $0x1210;
	v5 =	vnsel vm0, $0xC479C000, v5  }
0x3d: {  	[tilespmem:s5+$0xFFFFFFF0] =	vst v5  }
0x3e: {  	v5 =	vld [tilespmem:s6+$0x0];
	_ =	sdelay $0x4  }
0x3f: {  	v5 =	vsub.f32 v5, v0;
	_ =	sdelay $0x1  }
0x40: {  	v5 =	vmul.f32 v5, v3  }
0x41: {  	s31 =	simm.s32 $0x10  }
0x42: {  	v6 =	vor.u32 s31, v4;
	v5 =	vadd.f32 v5, v2  }
0x43: {  	vm15 =	vlt.s32 v6, v1  }
0x44: {  	v5 =	vnsel vm15, $0xC479C000, v5  }
0x45: {  	s7 =	sadd.s32 $0x20, s6;
	[tilespmem:s5+$0x0] =	vst v5  }
0x46: {  	s8 =	simm.s32 $0x40;
	s6 =	simm.s32 $0x20;
	v5 =	vld [tilespmem:s7+$0xFFFFFFF0]  }
.LBB2_1:
0x47: {  	p0 =	sne.s32 s8, $0x7E0;
	_ =	sdelay $0x3  }
0x48: {  	v5 =	vsub.f32 v5, v0;
	_ =	sdelay $0x1  }
0x49: {  	v5 =	vmul.f32 v5, v3;
	_ =	sdelay $0x1  }
0x4a: {  	v6 =	vor.u32 s6, v4;
	v5 =	vadd.f32 v5, v2  }
0x4b: {  	vm0 =	vlt.s32 v6, v1  }
0x4c: {  	s5 =	sadd.s32 $0x20, s5;
	v5 =	vnsel vm0, $0xC479C000, v5  }
0x4d: {  	[tilespmem:s5+$0xFFFFFFF0] =	vst v5  }
0x4e: {  	v5 =	vld [tilespmem:s7+$0x0];
	_ =	sdelay $0x4  }
0x4f: {  	v5 =	vsub.f32 v5, v0;
	_ =	sdelay $0x1  }
0x50: {  	v5 =	vmul.f32 v5, v3  }
0x51: {  	s9 =	sadd.s32 $0x10, s6;
	s6 =	smov.u32 s8  }
.Ltmp0:
0x52: {  	v6 =	vor.u32 s9, v4;
	v5 =	vadd.f32 v5, v2;
	(pc) =	sbr.rel @p0 .LBB2_1-.Ltmp0, $4  }
0x53: {  	vm0 =	vlt.s32 v6, v1  }
0x54: {  	v5 =	vnsel vm0, $0xC479C000, v5  }
0x55: {  	s7 =	sadd.s32 $0x20, s7;
	[tilespmem:s5+$0x0] =	vst v5  }
0x56: {  	s8 =	sadd.s32 $0x20, s8;
	v5 =	vld [tilespmem:s7+$0xFFFFFFF0]  }
0x57: {  	_ =	sdelay $0x3  }
0x58: {  	v5 =	vsub.f32 v5, v0;
	_ =	sdelay $0x1  }
0x59: {  	v5 =	vmul.f32 v5, v3;
	_ =	sdelay $0x1  }
0x5a: {  	v6 =	vor.u32 s6, v4;
	v5 =	vadd.f32 v5, v2  }
0x5b: {  	vm0 =	vlt.s32 v6, v1  }
0x5c: {  	s5 =	sadd.s32 $0x20, s5;
	v5 =	vnsel vm0, $0xC479C000, v5  }
0x5d: {  	[tilespmem:s5+$0xFFFFFFF0] =	vst v5  }
0x5e: {  	v5 =	vld [tilespmem:s7+$0x0];
	_ =	sdelay $0x4  }
0x5f: {  	v62 =	vsub.f32 v5, v0;
	_ =	sdelay $0x1  }
0x60: {  	v0 =	vmul.f32 v62, v3  }
0x61: {  	s26 =	sadd.s32 $0x10, s6  }
0x62: {  	s3 =	sshll.u32 s3, $0xE;
	v63 =	vor.u32 s26, v4;
	v0 =	vadd.f32 v0, v2  }
0x63: {  	s3 =	sor.u32 s4, s3;
	vm15 =	vlt.s32 v63, v1  }
0x64: {  	s28 =	simm.s32 $0x80;
	s29 =	simm.s32 $0x400;
	s3 =	sshrl.u32 s3, $0x3;
	v0 =	vnsel vm15, $0xC479C000, v0  }
0x65: {  	s30 =	simm.s32 $0x1200;
	s31 =	simm.s32 $0x3;
	s2 =	sadd.s32 s2, s3;
	[tilespmem:s5+$0x0] =	vst v0  }
0x66: {  	[hbm4b:s2+s28] =	stream.strided.scatter [tilespmem:s30], [sflag:$0x3], $0x800, s29, s28, $0x38;
	[tilespmem:$0x1A00] =	vst v63  }
0x67: {  	_ =	swait.ge [sflag:s31], $0x800  }
0x68: {  	[sflag:s31] =	ssyncset.done $0x0  }
0x69: {  	[sflag:s31] =	ssyncadd.s32 $0xFFFFF800  }
0x6a: {  	_ =	sfence.sel $0x180000  }
0x6b: {  	[bflag:$0x0] =	sbarrier.arrive $0xFFFF  }
0x6c: {  	p0 =	sne.s32 s1, $0x0;
	_ =	strace $0x90000047  }
0x6d: {  	s0 =	sadd.s32 @!p0 $0x100000, s0;
	[bflag:$0x2] =	sbarrier.arrive $0xFFFF  }
0x6e: {  	[sflag:s0] =	ssyncadd.tile.s32 @!p0 $0x1;
	_ =	shalt  }
.Lfunc_end2:
_tile_overlayer_lowered:
.L_overlay_start_2:
0x6f: {  	(tag) =	ssettag $0x2  }
0x70: {  	s0 =	rddreg [dreg:$0x0];
	s2 =	stileid.u32  }
0x71: {  	s1 =	rddreg [dreg:$0x1];
	p0 =	sne.s32 s2, $0x0  }
0x72: {  	s3 =	rddreg [dreg:$0x2];
	[bflag:$0x3] =	sbarrier.arrive $0xFFFF;
	s2 =	simm.s32 @!p0 $0x1C03  }
0x73: {  	[timem:s3], [sflag:s2] =	dma.local @!p0 [hbm:s0], s1  }
0x74: {  	s0 =	simm.s32 @!p0 $0x3  }
0x75: {  	_ =	swait.ge @!p0 [sflag:s0], s1  }
0x76: {  	s1 =	ssub.s32 @!p0 $0x0, s1;
	[sflag:s0] =	ssyncset.done @!p0 $0x0  }
0x77: {  	[sflag:s0] =	ssyncadd.s32 @!p0 s1  }
0x78: {  	[bflag:$0x3] =	sbarrier.arrive $0xFFFF  }
0x79: {  	_ =	shalt  }

</sc_bundles>
